<compile_context>
chip_gen: v7x
topology: tpu7x:2x2x1
jax: 0.10.2.dev20260603
libtpu: 0.0.44.dev20260713+nightly
codegen_flags: <defaults>
</compile_context>

<pallas_src>
import functools

import jax
import jax.numpy as jnp
from jax.experimental import pallas as pl
from jax.experimental.pallas import tpu as pltpu

N_NUCL, N_UP, N_DN = 128, 192, 192
N_P = N_NUCL + N_UP + N_DN
SINGLE, PAIR = 256, 32
SQRT2 = 1.4142135623730951

BI = 64
BA = 16
NI = N_P // BI
NA = 128 // BA
_SEC_LO, _SEC_HI = 2, 5


def _sec(t):
    return (t >= _SEC_LO).astype(jnp.int32) + (t >= _SEC_HI).astype(jnp.int32)


def _pair_idx(i, j):
    si, sj = _sec(i), _sec(j)
    a = (si > 0).astype(jnp.int32)
    b = (sj > 0).astype(jnp.int32)
    neq = (si != sj).astype(jnp.int32)
    return a * b * (2 + neq) + (a + b - 2 * a * b)


def _h2_kernel(x_ref, w_ref, b_ref, out_ref, sums_ref):
    x3 = x_ref[...]
    x2 = x3.reshape(BI * BA, 128)
    y = jnp.dot(x2, w_ref[0], preferred_element_type=jnp.float32) + b_ref[0]
    out = (x2 + jax.nn.gelu(y) * SQRT2) * (1.0 / SQRT2)
    out_ref[...] = out.reshape(BI, BA, 128)

    part = jnp.sum(x3, axis=1)
    j = pl.program_id(1)
    first = (j == 0) | (j == _SEC_LO) | (j == _SEC_HI)

    @pl.when(first)
    def _():
        sums_ref[0] = part

    @pl.when(jnp.logical_not(first))
    def _():
        sums_ref[0] += part


def _h1_kernel(h1_ref, sums_ref, wn1_ref, we1_ref, wn2_ref, we2_ref,
               wn3_ref, we3_ref, b1n_ref, b1e_ref, out_ref):
    h1 = h1_ref[...]
    s0 = sums_ref[0] * (1.0 / N_NUCL)
    s1 = sums_ref[1] * (1.0 / N_UP)
    s2 = sums_ref[2] * (1.0 / N_DN)

    dot = functools.partial(jnp.dot, preferred_element_type=jnp.float32)

    m0 = jnp.mean(h1[0:N_NUCL], axis=0, keepdims=True)
    m1 = jnp.mean(h1[N_NUCL:N_NUCL + N_UP], axis=0, keepdims=True)
    m2 = jnp.mean(h1[N_NUCL + N_UP:], axis=0, keepdims=True)

    cN = dot(m0, wn3_ref[0]) + dot(m1, wn3_ref[1]) + dot(m2, wn3_ref[2])
    cU = dot(m0, we3_ref[0]) + dot(m1, we3_ref[1]) + dot(m2, we3_ref[2])
    cD = dot(m0, we3_ref[0]) + dot(m2, we3_ref[1]) + dot(m1, we3_ref[2])

    i1, i2 = N_NUCL, N_NUCL + N_UP
    zN = (dot(h1[0:i1], wn1_ref[...]) + dot(s0[0:i1], wn2_ref[0])
          + dot(s1[0:i1], wn2_ref[1]) + dot(s2[0:i1], wn2_ref[2])
          + cN + b1n_ref[...])
    zU = (dot(h1[i1:i2], we1_ref[...]) + dot(s0[i1:i2], we2_ref[0])
          + dot(s1[i1:i2], we2_ref[1]) + dot(s2[i1:i2], we2_ref[2])
          + cU + b1e_ref[...])
    zD = (dot(h1[i2:], we1_ref[...]) + dot(s0[i2:], we2_ref[0])
          + dot(s2[i2:], we2_ref[1]) + dot(s1[i2:], we2_ref[2])
          + cD + b1e_ref[...])

    out_ref[0:i1] = (h1[0:i1] + jax.nn.gelu(zN) * SQRT2) * (1.0 / SQRT2)
    out_ref[i1:i2] = (h1[i1:i2] + jax.nn.gelu(zU) * SQRT2) * (1.0 / SQRT2)
    out_ref[i2:] = (h1[i2:] + jax.nn.gelu(zD) * SQRT2) * (1.0 / SQRT2)


@jax.jit
def kernel(h1, h2, W1_nucl, b1_nucl, W1_elec, b1_elec, W2, b2):
    h2f = h2.reshape(N_P, 128, 128)

    wbig = jax.vmap(lambda w: jnp.kron(jnp.eye(4, dtype=w.dtype), w))(W2)
    bbig = jnp.tile(b2, (1, 4)).reshape(4, 1, 128)

    h2_out_f, sums = pl.pallas_call(
        _h2_kernel,
        grid=(NI, NA),
        in_specs=[
            pl.BlockSpec((BI, BA, 128), lambda i, j: (i, j, 0)),
            pl.BlockSpec((1, 128, 128), lambda i, j: (_pair_idx(i, j), 0, 0)),
            pl.BlockSpec((1, 1, 128), lambda i, j: (_pair_idx(i, j), 0, 0)),
        ],
        out_specs=[
            pl.BlockSpec((BI, BA, 128), lambda i, j: (i, j, 0)),
            pl.BlockSpec((1, BI, 128), lambda i, j: (_sec(j), i, 0)),
        ],
        out_shape=[
            jax.ShapeDtypeStruct((N_P, 128, 128), jnp.float32),
            jax.ShapeDtypeStruct((3, N_P, 128), jnp.float32),
        ],
        compiler_params=pltpu.CompilerParams(
            dimension_semantics=("parallel", "arbitrary")),
    )(h2f, wbig, bbig)

    c0, c1 = SINGLE, SINGLE + 3 * PAIR
    tile4 = lambda w: jnp.tile(w, (4, 1))
    wn1 = W1_nucl[0:c0]
    we1 = W1_elec[0:c0]
    wn2 = jnp.stack([tile4(W1_nucl[c0 + PAIR * s:c0 + PAIR * (s + 1)])
                     for s in range(3)])
    we2 = jnp.stack([tile4(W1_elec[c0 + PAIR * s:c0 + PAIR * (s + 1)])
                     for s in range(3)])
    wn3 = jnp.stack([W1_nucl[c1 + SINGLE * s:c1 + SINGLE * (s + 1)]
                     for s in range(3)])
    we3 = jnp.stack([W1_elec[c1 + SINGLE * s:c1 + SINGLE * (s + 1)]
                     for s in range(3)])

    h1_out = pl.pallas_call(
        _h1_kernel,
        out_shape=jax.ShapeDtypeStruct((N_P, SINGLE), jnp.float32),
    )(h1, sums, wn1, we1, wn2, we2, wn3, we3,
      b1_nucl.reshape(1, SINGLE), b1_elec.reshape(1, SINGLE))

    return (h1_out, h2_out_f.reshape(N_P, N_P, PAIR))

# --- scband reference (transcript-rebuilt; emitter-appended) ---
"""Pipeline reference for scband-fermi-layer-21629455302830 (READ-ONLY COPY).

The authoritative reference and input builder live on the scoring server;
editing this copy changes nothing except your own understanding.
"""

import jax, jax.numpy as jnp
import numpy as np

N_NUCL, N_UP, N_DN = 128, 192, 192
N_P = N_NUCL + N_UP + N_DN
SINGLE, PAIR = 256, 32
N_SEC = 3
SQRT2 = 1.4142135623730951

def _pair_type():
    pt = np.zeros((N_P, N_P), int)
    pt[0:N_NUCL, N_NUCL:N_P] = 1
    pt[N_NUCL:N_P, 0:N_NUCL] = 1
    pt[N_NUCL:N_NUCL + N_UP, N_NUCL:N_NUCL + N_UP] = 2
    pt[N_NUCL + N_UP:, N_NUCL + N_UP:] = 2
    pt[N_NUCL:N_NUCL + N_UP, N_NUCL + N_UP:] = 3
    pt[N_NUCL + N_UP:, N_NUCL:N_NUCL + N_UP] = 3
    return jnp.asarray(pt)

PAIR_TYPE = _pair_type()

def _actv(x):
    # parse_activation('gelu', rescale=True): variance-rescaled gelu
    return jax.nn.gelu(x) * SQRT2

def setup_inputs(seed: int = 0):
    key = jax.random.key(seed)
    ks = jax.random.split(key, 6)
    d_feat = SINGLE * (1 + N_SEC) + N_SEC * PAIR
    h1 = jax.random.normal(ks[0], (N_P, SINGLE), dtype=jnp.float32)
    h2 = jax.random.normal(ks[1], (N_P, N_P, PAIR), dtype=jnp.float32)
    W1_nucl = jax.random.normal(ks[2], (d_feat, SINGLE), dtype=jnp.float32) / jnp.sqrt(d_feat)
    W1_elec = jax.random.normal(ks[3], (d_feat, SINGLE), dtype=jnp.float32) / jnp.sqrt(d_feat)
    b1_nucl = jnp.zeros((SINGLE,), jnp.float32)
    b1_elec = jnp.zeros((SINGLE,), jnp.float32)
    W2 = jax.random.normal(ks[4], (4, PAIR, PAIR), dtype=jnp.float32) / jnp.sqrt(PAIR)
    b2 = jnp.zeros((4, PAIR), jnp.float32)
    return {"h1": h1, "h2": h2, "W1_nucl": W1_nucl, "b1_nucl": b1_nucl,
            "W1_elec": W1_elec, "b1_elec": b1_elec, "W2": W2, "b2": b2}

def reference(h1, h2, W1_nucl, b1_nucl, W1_elec, b1_elec, W2, b2):
    i1, i2 = N_NUCL, N_NUCL + N_UP
    # aggregate_features
    h1_mean = jnp.tile(jnp.stack([h1[:i1].mean(0), h1[i1:i2].mean(0), h1[i2:].mean(0)], axis=-2), (N_P, 1, 1))
    h2_mean = jnp.stack([h2[:, :i1].mean(1), h2[:, i1:i2].mean(1), h2[:, i2:].mean(1)], axis=-2)
    # spin symmetry: swap last two section means for down-spin rows
    sw = jnp.array([2, 1])
    h1_mean = h1_mean.at[i2:, 1:3].set(h1_mean[i2:, sw])
    h2_mean = h2_mean.at[i2:, 1:3].set(h2_mean[i2:, sw])
    feature = jnp.concatenate([h1, h2_mean.reshape(N_P, -1), h1_mean.reshape(N_P, -1)], axis=-1)
    # h1 update: separate dense for nuclei vs electrons
    h1_new = jnp.concatenate([feature[:i1] @ W1_nucl + b1_nucl,
                              feature[i1:] @ W1_elec + b1_elec], axis=0)
    h1_out = (h1 + _actv(h1_new)) / SQRT2  # adaptive_residual with rescale
    # h2 update: per pair-type dense, scatter by pair_type mask
    h2_new = jnp.zeros((N_P, N_P, PAIR), jnp.float32)
    for p in range(4):
        dense = h2 @ W2[p] + b2[p]
        h2_new = h2_new + jnp.where((PAIR_TYPE == p)[:, :, None], dense, 0.0)
    h2_out = (h2 + _actv(h2_new)) / SQRT2
    return (h1_out, h2_out)

if __name__ == "__main__":
    import jax
    _d = setup_inputs()
    print(jax.jit(kernel)(*tuple(_d.values())))

</pallas_src>

<mosaic_0001>
module attributes {stable_mosaic.version = 14 : i64} {
  func.func @_h2_kernel(%arg0: i32, %arg1: i32, %arg2: memref<64x16x128xf32, #tpu.memory_space<vmem>>, %arg3: memref<1x128x128xf32, #tpu.memory_space<vmem>>, %arg4: memref<1x1x128xf32, #tpu.memory_space<vmem>>, %arg5: memref<64x16x128xf32, #tpu.memory_space<vmem>>, %arg6: memref<1x64x128xf32, #tpu.memory_space<vmem>>) attributes {dimension_semantics = [#tpu.dimension_semantics<parallel>, #tpu.dimension_semantics<arbitrary>], iteration_bounds = array<i64: 8, 8>, scalar_prefetch = 0 : i64, scratch_operands = 0 : i64, tpu.core_type = #tpu.core_type<tc>, window_params = [{transform_indices = @transform_0, window_bounds = array<i64: 64, 16, 128>}, {transform_indices = @transform_1, window_bounds = array<i64: 1, 128, 128>}, {transform_indices = @transform_2, window_bounds = array<i64: 1, 1, 128>}, {transform_indices = @transform_3, window_bounds = array<i64: 64, 16, 128>}, {transform_indices = @transform_4, window_bounds = array<i64: 1, 64, 128>}]} {
    %get3A = arith.constant 0 : index
    %get3A_0 = arith.constant 0 : index
    %get3A_1 = arith.constant 0 : index
    %get3A_2 = vector.load %arg2[%get3A, %get3A_0, %get3A_1] : memref<64x16x128xf32, #tpu.memory_space<vmem>>, vector<64x16x128xf32>
    %reshape3A = vector.shape_cast %get3A_2 : vector<64x16x128xf32> to vector<1024x128xf32>
    %get3A_3 = arith.constant 0 : index
    %get3A_4 = arith.constant 0 : index
    %get3A_5 = arith.constant 0 : index
    %get3A_6 = vector.load %arg3[%get3A_3, %get3A_4, %get3A_5] : memref<1x128x128xf32, #tpu.memory_space<vmem>>, vector<1x128x128xf32>
    %get3A_7 = vector.shape_cast %get3A_6 : vector<1x128x128xf32> to vector<128x128xf32>
    %dot_general3A = arith.constant dense<0.000000e+00> : vector<1024x128xf32>
    %dot_general3A_8 = tpu.matmul %reshape3A, %get3A_7, %dot_general3A {dimension_numbers = #tpu.dot_dimension_numbers<[1], [0], [0], [1], [0, 0, 1, 1], [], []>, transpose_lhs_hint = false} : vector<1024x128xf32>, vector<128x128xf32>, vector<1024x128xf32> -> vector<1024x128xf32>
    %get3A_9 = arith.constant 0 : index
    %get3A_10 = arith.constant 0 : index
    %get3A_11 = arith.constant 0 : index
    %get3A_12 = vector.load %arg4[%get3A_9, %get3A_10, %get3A_11] : memref<1x1x128xf32, #tpu.memory_space<vmem>>, vector<1x1x128xf32>
    %get3A_13 = vector.shape_cast %get3A_12 : vector<1x1x128xf32> to vector<1x128xf32>
    %add3A = vector.broadcast %get3A_13 : vector<1x128xf32> to vector<1024x128xf32>
    %add3A_14 = arith.addf %dot_general3A_8, %add3A : vector<1024x128xf32>
    %integer_pow3A = arith.mulf %add3A_14, %add3A_14 : vector<1024x128xf32>
    %integer_pow3A_15 = arith.mulf %add3A_14, %integer_pow3A : vector<1024x128xf32>
    %mul3A = arith.constant 4.471500e-02 : f32
    %mul3A_16 = vector.broadcast %mul3A : f32 to vector<1024x128xf32>
    %mul3A_17 = arith.mulf %mul3A_16, %integer_pow3A_15 : vector<1024x128xf32>
    %add3A_18 = arith.addf %add3A_14, %mul3A_17 : vector<1024x128xf32>
    %mul3A_19 = arith.constant 0.797884583 : f32
    %mul3A_20 = vector.broadcast %mul3A_19 : f32 to vector<1024x128xf32>
    %mul3A_21 = arith.mulf %mul3A_20, %add3A_18 : vector<1024x128xf32>
    %tanh3A = math.tanh %mul3A_21 : vector<1024x128xf32>
    %add3A_22 = arith.constant 1.000000e+00 : f32
    %add3A_23 = vector.broadcast %add3A_22 : f32 to vector<1024x128xf32>
    %add3A_24 = arith.addf %add3A_23, %tanh3A : vector<1024x128xf32>
    %mul3A_25 = arith.constant 5.000000e-01 : f32
    %mul3A_26 = vector.broadcast %mul3A_25 : f32 to vector<1024x128xf32>
    %mul3A_27 = arith.mulf %mul3A_26, %add3A_24 : vector<1024x128xf32>
    %mul3A_28 = arith.mulf %add3A_14, %mul3A_27 : vector<1024x128xf32>
    %mul3A_29 = arith.constant 1.41421354 : f32
    %mul3A_30 = vector.broadcast %mul3A_29 : f32 to vector<1024x128xf32>
    %mul3A_31 = arith.mulf %mul3A_28, %mul3A_30 : vector<1024x128xf32>
    %add3A_32 = arith.addf %reshape3A, %mul3A_31 : vector<1024x128xf32>
    %mul3A_33 = arith.constant 0.707106769 : f32
    %mul3A_34 = vector.broadcast %mul3A_33 : f32 to vector<1024x128xf32>
    %mul3A_35 = arith.mulf %add3A_32, %mul3A_34 : vector<1024x128xf32>
    %reshape3A_36 = vector.shape_cast %mul3A_35 : vector<1024x128xf32> to vector<64x16x128xf32>
    %swap3A = arith.constant 0 : index
    %swap3A_37 = arith.constant 0 : index
    %swap3A_38 = arith.constant 0 : index
    %swap3A_39 = vector.load %arg5[%swap3A, %swap3A_37, %swap3A_38] : memref<64x16x128xf32, #tpu.memory_space<vmem>>, vector<64x16x128xf32>
    tpu.vector_store %arg5[%swap3A, %swap3A_37, %swap3A_38], %reshape3A_36 {strides = array<i32>} : memref<64x16x128xf32, #tpu.memory_space<vmem>>, vector<64x16x128xf32>,
    %reduce_sum3A = arith.constant dense<0.000000e+00> : vector<64x128xf32>
    %reduce_sum3A_40 = vector.multi_reduction <add>, %get3A_2, %reduce_sum3A [1] : vector<64x16x128xf32> to vector<64x128xf32>
    %eq3A = arith.constant 0 : i32
    %eq3A_41 = arith.cmpi eq, %arg1, %eq3A : i32
    %eq3A_42 = arith.constant 2 : i32
    %eq3A_43 = arith.cmpi eq, %arg1, %eq3A_42 : i32
    %or3A = arith.ori %eq3A_41, %eq3A_43 : i1
    %eq3A_44 = arith.constant 5 : i32
    %eq3A_45 = arith.cmpi eq, %arg1, %eq3A_44 : i32
    %or3A_46 = arith.ori %or3A, %eq3A_45 : i1
    %convert_element_type3A = arith.extui %or3A_46 : i1 to i32
    %cond3A = arith.constant 0 : i32
    %cond3A_47 = arith.cmpi ne, %convert_element_type3A, %cond3A : i32
    scf.if %cond3A_47 {
      %swap3A_52 = arith.constant 0 : index
      %swap3A_53 = arith.constant 0 : index
      %swap3A_54 = arith.constant 0 : index
      %swap3A_55 = vector.load %arg6[%swap3A_52, %swap3A_53, %swap3A_54] : memref<1x64x128xf32, #tpu.memory_space<vmem>>, vector<1x64x128xf32>
      %swap3A_56 = vector.shape_cast %swap3A_55 : vector<1x64x128xf32> to vector<64x128xf32>
      %swap3A_57 = vector.shape_cast %reduce_sum3A_40 : vector<64x128xf32> to vector<1x64x128xf32>
      tpu.vector_store %arg6[%swap3A_52, %swap3A_53, %swap3A_54], %swap3A_57 {strides = array<i32>} : memref<1x64x128xf32, #tpu.memory_space<vmem>>, vector<1x64x128xf32>,
    } else {
    }
    %not3A = arith.constant true
    %not3A_48 = arith.xori %or3A_46, %not3A : i1
    %convert_element_type3A_49 = arith.extui %not3A_48 : i1 to i32
    %cond3A_50 = arith.constant 0 : i32
    %cond3A_51 = arith.cmpi ne, %convert_element_type3A_49, %cond3A_50 : i32
    scf.if %cond3A_51 {
      %get3A_52 = arith.constant 0 : index
      %get3A_53 = arith.constant 0 : index
      %get3A_54 = arith.constant 0 : index
      %get3A_55 = vector.load %arg6[%get3A_52, %get3A_53, %get3A_54] : memref<1x64x128xf32, #tpu.memory_space<vmem>>, vector<1x64x128xf32>
      %get3A_56 = vector.shape_cast %get3A_55 : vector<1x64x128xf32> to vector<64x128xf32>
      %add3A_57 = arith.addf %get3A_56, %reduce_sum3A_40 : vector<64x128xf32>
      %swap3A_58 = arith.constant 0 : index
      %swap3A_59 = arith.constant 0 : index
      %swap3A_60 = arith.constant 0 : index
      %swap3A_61 = vector.load %arg6[%swap3A_58, %swap3A_59, %swap3A_60] : memref<1x64x128xf32, #tpu.memory_space<vmem>>, vector<1x64x128xf32>
      %swap3A_62 = vector.shape_cast %swap3A_61 : vector<1x64x128xf32> to vector<64x128xf32>
      %swap3A_63 = vector.shape_cast %add3A_57 : vector<64x128xf32> to vector<1x64x128xf32>
      tpu.vector_store %arg6[%swap3A_58, %swap3A_59, %swap3A_60], %swap3A_63 {strides = array<i32>} : memref<1x64x128xf32, #tpu.memory_space<vmem>>, vector<1x64x128xf32>,
    } else {
    }
    return
  }
  func.func @transform_0(%arg0: i32, %arg1: i32) -> (i32, i32, i32) {
    %c0_i32 = arith.constant 0 : i32
    %c0_i32_0 = arith.constant 0 : i32
    return %arg0, %arg1, %c0_i32 : i32, i32, i32
  }
  func.func @transform_1(%arg0: i32, %arg1: i32) -> (i32, i32, i32) {
    %ge3A = arith.constant 2 : i32
    %ge3A_0 = arith.cmpi sge, %arg0, %ge3A : i32
    %convert_element_type3A = arith.extui %ge3A_0 : i1 to i32
    %ge3A_1 = arith.constant 5 : i32
    %ge3A_2 = arith.cmpi sge, %arg0, %ge3A_1 : i32
    %convert_element_type3A_3 = arith.extui %ge3A_2 : i1 to i32
    %add3A = arith.addi %convert_element_type3A, %convert_element_type3A_3 : i32
    %ge3A_4 = arith.constant 2 : i32
    %ge3A_5 = arith.cmpi sge, %arg1, %ge3A_4 : i32
    %convert_element_type3A_6 = arith.extui %ge3A_5 : i1 to i32
    %ge3A_7 = arith.constant 5 : i32
    %ge3A_8 = arith.cmpi sge, %arg1, %ge3A_7 : i32
    %convert_element_type3A_9 = arith.extui %ge3A_8 : i1 to i32
    %add3A_10 = arith.addi %convert_element_type3A_6, %convert_element_type3A_9 : i32
    %gt3A = arith.constant 0 : i32
    %gt3A_11 = arith.cmpi sgt, %add3A, %gt3A : i32
    %convert_element_type3A_12 = arith.extui %gt3A_11 : i1 to i32
    %gt3A_13 = arith.constant 0 : i32
    %gt3A_14 = arith.cmpi sgt, %add3A_10, %gt3A_13 : i32
    %convert_element_type3A_15 = arith.extui %gt3A_14 : i1 to i32
    %ne3A = arith.cmpi ne, %add3A, %add3A_10 : i32
    %convert_element_type3A_16 = arith.extui %ne3A : i1 to i32
    %mul3A = arith.muli %convert_element_type3A_12, %convert_element_type3A_15 : i32
    %add3A_17 = arith.constant 2 : i32
    %add3A_18 = arith.addi %add3A_17, %convert_element_type3A_16 : i32
    %mul3A_19 = arith.muli %mul3A, %add3A_18 : i32
    %add3A_20 = arith.addi %convert_element_type3A_12, %convert_element_type3A_15 : i32
    %mul3A_21 = arith.constant 2 : i32
    %mul3A_22 = arith.muli %mul3A_21, %convert_element_type3A_12 : i32
    %mul3A_23 = arith.muli %mul3A_22, %convert_element_type3A_15 : i32
    %sub3A = arith.subi %add3A_20, %mul3A_23 : i32
    %add3A_24 = arith.addi %mul3A_19, %sub3A : i32
    %c0_i32 = arith.constant 0 : i32
    %c0_i32_25 = arith.constant 0 : i32
    %c0_i32_26 = arith.constant 0 : i32
    return %add3A_24, %c0_i32, %c0_i32_25 : i32, i32, i32
  }
  func.func @transform_2(%arg0: i32, %arg1: i32) -> (i32, i32, i32) {
    %ge3A = arith.constant 2 : i32
    %ge3A_0 = arith.cmpi sge, %arg0, %ge3A : i32
    %convert_element_type3A = arith.extui %ge3A_0 : i1 to i32
    %ge3A_1 = arith.constant 5 : i32
    %ge3A_2 = arith.cmpi sge, %arg0, %ge3A_1 : i32
    %convert_element_type3A_3 = arith.extui %ge3A_2 : i1 to i32
    %add3A = arith.addi %convert_element_type3A, %convert_element_type3A_3 : i32
    %ge3A_4 = arith.constant 2 : i32
    %ge3A_5 = arith.cmpi sge, %arg1, %ge3A_4 : i32
    %convert_element_type3A_6 = arith.extui %ge3A_5 : i1 to i32
    %ge3A_7 = arith.constant 5 : i32
    %ge3A_8 = arith.cmpi sge, %arg1, %ge3A_7 : i32
    %convert_element_type3A_9 = arith.extui %ge3A_8 : i1 to i32
    %add3A_10 = arith.addi %convert_element_type3A_6, %convert_element_type3A_9 : i32
    %gt3A = arith.constant 0 : i32
    %gt3A_11 = arith.cmpi sgt, %add3A, %gt3A : i32
    %convert_element_type3A_12 = arith.extui %gt3A_11 : i1 to i32
    %gt3A_13 = arith.constant 0 : i32
    %gt3A_14 = arith.cmpi sgt, %add3A_10, %gt3A_13 : i32
    %convert_element_type3A_15 = arith.extui %gt3A_14 : i1 to i32
    %ne3A = arith.cmpi ne, %add3A, %add3A_10 : i32
    %convert_element_type3A_16 = arith.extui %ne3A : i1 to i32
    %mul3A = arith.muli %convert_element_type3A_12, %convert_element_type3A_15 : i32
    %add3A_17 = arith.constant 2 : i32
    %add3A_18 = arith.addi %add3A_17, %convert_element_type3A_16 : i32
    %mul3A_19 = arith.muli %mul3A, %add3A_18 : i32
    %add3A_20 = arith.addi %convert_element_type3A_12, %convert_element_type3A_15 : i32
    %mul3A_21 = arith.constant 2 : i32
    %mul3A_22 = arith.muli %mul3A_21, %convert_element_type3A_12 : i32
    %mul3A_23 = arith.muli %mul3A_22, %convert_element_type3A_15 : i32
    %sub3A = arith.subi %add3A_20, %mul3A_23 : i32
    %add3A_24 = arith.addi %mul3A_19, %sub3A : i32
    %c0_i32 = arith.constant 0 : i32
    %c0_i32_25 = arith.constant 0 : i32
    %c0_i32_26 = arith.constant 0 : i32
    return %add3A_24, %c0_i32, %c0_i32_25 : i32, i32, i32
  }
  func.func @transform_3(%arg0: i32, %arg1: i32) -> (i32, i32, i32) {
    %c0_i32 = arith.constant 0 : i32
    %c0_i32_0 = arith.constant 0 : i32
    return %arg0, %arg1, %c0_i32 : i32, i32, i32
  }
  func.func @transform_4(%arg0: i32, %arg1: i32) -> (i32, i32, i32) {
    %ge3A = arith.constant 2 : i32
    %ge3A_0 = arith.cmpi sge, %arg1, %ge3A : i32
    %convert_element_type3A = arith.extui %ge3A_0 : i1 to i32
    %ge3A_1 = arith.constant 5 : i32
    %ge3A_2 = arith.cmpi sge, %arg1, %ge3A_1 : i32
    %convert_element_type3A_3 = arith.extui %ge3A_2 : i1 to i32
    %add3A = arith.addi %convert_element_type3A, %convert_element_type3A_3 : i32
    %c0_i32 = arith.constant 0 : i32
    %c0_i32_4 = arith.constant 0 : i32
    return %add3A, %arg0, %c0_i32 : i32, i32, i32
  }
}

module attributes {stable_mosaic.version = 14 : i64} {
  func.func @_h1_kernel(%arg0: memref<512x256xf32, #tpu.memory_space<vmem>>, %arg1: memref<3x512x128xf32, #tpu.memory_space<vmem>>, %arg2: memref<256x256xf32, #tpu.memory_space<vmem>>, %arg3: memref<256x256xf32, #tpu.memory_space<vmem>>, %arg4: memref<3x128x256xf32, #tpu.memory_space<vmem>>, %arg5: memref<3x128x256xf32, #tpu.memory_space<vmem>>, %arg6: memref<3x256x256xf32, #tpu.memory_space<vmem>>, %arg7: memref<3x256x256xf32, #tpu.memory_space<vmem>>, %arg8: memref<1x256xf32, #tpu.memory_space<vmem>>, %arg9: memref<1x256xf32, #tpu.memory_space<vmem>>, %arg10: memref<512x256xf32, #tpu.memory_space<vmem>>) attributes {dimension_semantics = [], scalar_prefetch = 0 : i64, scratch_operands = 0 : i64, tpu.core_type = #tpu.core_type<tc>} {
    %get3A = arith.constant 0 : index
    %get3A_0 = arith.constant 0 : index
    %get3A_1 = vector.load %arg0[%get3A, %get3A_0] : memref<512x256xf32, #tpu.memory_space<vmem>>, vector<512x256xf32>
    %get3A_2 = arith.constant 0 : index
    %get3A_3 = arith.constant 0 : index
    %get3A_4 = arith.constant 0 : index
    %get3A_5 = vector.load %arg1[%get3A_2, %get3A_3, %get3A_4] : memref<3x512x128xf32, #tpu.memory_space<vmem>>, vector<1x512x128xf32>
    %get3A_6 = vector.shape_cast %get3A_5 : vector<1x512x128xf32> to vector<512x128xf32>
    %mul3A = arith.constant 7.812500e-03 : f32
    %mul3A_7 = vector.broadcast %mul3A : f32 to vector<512x128xf32>
    %mul3A_8 = arith.mulf %get3A_6, %mul3A_7 : vector<512x128xf32>
    %get3A_9 = arith.constant 1 : index
    %get3A_10 = arith.constant 0 : index
    %get3A_11 = arith.constant 0 : index
    %get3A_12 = vector.load %arg1[%get3A_9, %get3A_10, %get3A_11] : memref<3x512x128xf32, #tpu.memory_space<vmem>>, vector<1x512x128xf32>
    %get3A_13 = vector.shape_cast %get3A_12 : vector<1x512x128xf32> to vector<512x128xf32>
    %mul3A_14 = arith.constant 0.00520833349 : f32
    %mul3A_15 = vector.broadcast %mul3A_14 : f32 to vector<512x128xf32>
    %mul3A_16 = arith.mulf %get3A_13, %mul3A_15 : vector<512x128xf32>
    %get3A_17 = arith.constant 2 : index
    %get3A_18 = arith.constant 0 : index
    %get3A_19 = arith.constant 0 : index
    %get3A_20 = vector.load %arg1[%get3A_17, %get3A_18, %get3A_19] : memref<3x512x128xf32, #tpu.memory_space<vmem>>, vector<1x512x128xf32>
    %get3A_21 = vector.shape_cast %get3A_20 : vector<1x512x128xf32> to vector<512x128xf32>
    %mul3A_22 = arith.constant 0.00520833349 : f32
    %mul3A_23 = vector.broadcast %mul3A_22 : f32 to vector<512x128xf32>
    %mul3A_24 = arith.mulf %get3A_21, %mul3A_23 : vector<512x128xf32>
    %slice3A = vector.extract_strided_slice %get3A_1 {offsets = [0, 0], sizes = [128, 256], strides = [1, 1]} : vector<512x256xf32> to vector<128x256xf32>
    %reduce_sum3A = arith.constant dense<0.000000e+00> : vector<256xf32>
    %reduce_sum3A_25 = vector.multi_reduction <add>, %slice3A, %reduce_sum3A [0] : vector<128x256xf32> to vector<256xf32>
    %broadcast_in_dim3A = vector.shape_cast %reduce_sum3A_25 : vector<256xf32> to vector<1x256xf32>
    %div3A = arith.constant 1.280000e+02 : f32
    %div3A_26 = vector.broadcast %div3A : f32 to vector<1x256xf32>
    %div3A_27 = arith.divf %broadcast_in_dim3A, %div3A_26 : vector<1x256xf32>
    %slice3A_28 = vector.extract_strided_slice %get3A_1 {offsets = [128, 0], sizes = [192, 256], strides = [1, 1]} : vector<512x256xf32> to vector<192x256xf32>
    %reduce_sum3A_29 = arith.constant dense<0.000000e+00> : vector<256xf32>
    %reduce_sum3A_30 = vector.multi_reduction <add>, %slice3A_28, %reduce_sum3A_29 [0] : vector<192x256xf32> to vector<256xf32>
    %broadcast_in_dim3A_31 = vector.shape_cast %reduce_sum3A_30 : vector<256xf32> to vector<1x256xf32>
    %div3A_32 = arith.constant 1.920000e+02 : f32
    %div3A_33 = vector.broadcast %div3A_32 : f32 to vector<1x256xf32>
    %div3A_34 = arith.divf %broadcast_in_dim3A_31, %div3A_33 : vector<1x256xf32>
    %slice3A_35 = vector.extract_strided_slice %get3A_1 {offsets = [320, 0], sizes = [192, 256], strides = [1, 1]} : vector<512x256xf32> to vector<192x256xf32>
    %reduce_sum3A_36 = arith.constant dense<0.000000e+00> : vector<256xf32>
    %reduce_sum3A_37 = vector.multi_reduction <add>, %slice3A_35, %reduce_sum3A_36 [0] : vector<192x256xf32> to vector<256xf32>
    %broadcast_in_dim3A_38 = vector.shape_cast %reduce_sum3A_37 : vector<256xf32> to vector<1x256xf32>
    %div3A_39 = arith.constant 1.920000e+02 : f32
    %div3A_40 = vector.broadcast %div3A_39 : f32 to vector<1x256xf32>
    %div3A_41 = arith.divf %broadcast_in_dim3A_38, %div3A_40 : vector<1x256xf32>
    %get3A_42 = arith.constant 0 : index
    %get3A_43 = arith.constant 0 : index
    %get3A_44 = arith.constant 0 : index
    %get3A_45 = vector.load %arg6[%get3A_42, %get3A_43, %get3A_44] : memref<3x256x256xf32, #tpu.memory_space<vmem>>, vector<1x256x256xf32>
    %get3A_46 = vector.shape_cast %get3A_45 : vector<1x256x256xf32> to vector<256x256xf32>
    %dot_general3A = arith.constant dense<0.000000e+00> : vector<1x256xf32>
    %dot_general3A_47 = tpu.matmul %div3A_27, %get3A_46, %dot_general3A {dimension_numbers = #tpu.dot_dimension_numbers<[1], [0], [0], [1], [0, 0, 1, 1], [], []>, transpose_lhs_hint = false} : vector<1x256xf32>, vector<256x256xf32>, vector<1x256xf32> -> vector<1x256xf32>
    %get3A_48 = arith.constant 1 : index
    %get3A_49 = arith.constant 0 : index
    %get3A_50 = arith.constant 0 : index
    %get3A_51 = vector.load %arg6[%get3A_48, %get3A_49, %get3A_50] : memref<3x256x256xf32, #tpu.memory_space<vmem>>, vector<1x256x256xf32>
    %get3A_52 = vector.shape_cast %get3A_51 : vector<1x256x256xf32> to vector<256x256xf32>
    %dot_general3A_53 = arith.constant dense<0.000000e+00> : vector<1x256xf32>
    %dot_general3A_54 = tpu.matmul %div3A_34, %get3A_52, %dot_general3A_53 {dimension_numbers = #tpu.dot_dimension_numbers<[1], [0], [0], [1], [0, 0, 1, 1], [], []>, transpose_lhs_hint = false} : vector<1x256xf32>, vector<256x256xf32>, vector<1x256xf32> -> vector<1x256xf32>
    %add3A = arith.addf %dot_general3A_47, %dot_general3A_54 : vector<1x256xf32>
    %get3A_55 = arith.constant 2 : index
    %get3A_56 = arith.constant 0 : index
    %get3A_57 = arith.constant 0 : index
    %get3A_58 = vector.load %arg6[%get3A_55, %get3A_56, %get3A_57] : memref<3x256x256xf32, #tpu.memory_space<vmem>>, vector<1x256x256xf32>
    %get3A_59 = vector.shape_cast %get3A_58 : vector<1x256x256xf32> to vector<256x256xf32>
    %dot_general3A_60 = arith.constant dense<0.000000e+00> : vector<1x256xf32>
    %dot_general3A_61 = tpu.matmul %div3A_41, %get3A_59, %dot_general3A_60 {dimension_numbers = #tpu.dot_dimension_numbers<[1], [0], [0], [1], [0, 0, 1, 1], [], []>, transpose_lhs_hint = false} : vector<1x256xf32>, vector<256x256xf32>, vector<1x256xf32> -> vector<1x256xf32>
    %add3A_62 = arith.addf %add3A, %dot_general3A_61 : vector<1x256xf32>
    %get3A_63 = arith.constant 0 : index
    %get3A_64 = arith.constant 0 : index
    %get3A_65 = arith.constant 0 : index
    %get3A_66 = vector.load %arg7[%get3A_63, %get3A_64, %get3A_65] : memref<3x256x256xf32, #tpu.memory_space<vmem>>, vector<1x256x256xf32>
    %get3A_67 = vector.shape_cast %get3A_66 : vector<1x256x256xf32> to vector<256x256xf32>
    %dot_general3A_68 = arith.constant dense<0.000000e+00> : vector<1x256xf32>
    %dot_general3A_69 = tpu.matmul %div3A_27, %get3A_67, %dot_general3A_68 {dimension_numbers = #tpu.dot_dimension_numbers<[1], [0], [0], [1], [0, 0, 1, 1], [], []>, transpose_lhs_hint = false} : vector<1x256xf32>, vector<256x256xf32>, vector<1x256xf32> -> vector<1x256xf32>
    %get3A_70 = arith.constant 1 : index
    %get3A_71 = arith.constant 0 : index
    %get3A_72 = arith.constant 0 : index
    %get3A_73 = vector.load %arg7[%get3A_70, %get3A_71, %get3A_72] : memref<3x256x256xf32, #tpu.memory_space<vmem>>, vector<1x256x256xf32>
    %get3A_74 = vector.shape_cast %get3A_73 : vector<1x256x256xf32> to vector<256x256xf32>
    %dot_general3A_75 = arith.constant dense<0.000000e+00> : vector<1x256xf32>
    %dot_general3A_76 = tpu.matmul %div3A_34, %get3A_74, %dot_general3A_75 {dimension_numbers = #tpu.dot_dimension_numbers<[1], [0], [0], [1], [0, 0, 1, 1], [], []>, transpose_lhs_hint = false} : vector<1x256xf32>, vector<256x256xf32>, vector<1x256xf32> -> vector<1x256xf32>
    %add3A_77 = arith.addf %dot_general3A_69, %dot_general3A_76 : vector<1x256xf32>
    %get3A_78 = arith.constant 2 : index
    %get3A_79 = arith.constant 0 : index
    %get3A_80 = arith.constant 0 : index
    %get3A_81 = vector.load %arg7[%get3A_78, %get3A_79, %get3A_80] : memref<3x256x256xf32, #tpu.memory_space<vmem>>, vector<1x256x256xf32>
    %get3A_82 = vector.shape_cast %get3A_81 : vector<1x256x256xf32> to vector<256x256xf32>
    %dot_general3A_83 = arith.constant dense<0.000000e+00> : vector<1x256xf32>
    %dot_general3A_84 = tpu.matmul %div3A_41, %get3A_82, %dot_general3A_83 {dimension_numbers = #tpu.dot_dimension_numbers<[1], [0], [0], [1], [0, 0, 1, 1], [], []>, transpose_lhs_hint = false} : vector<1x256xf32>, vector<256x256xf32>, vector<1x256xf32> -> vector<1x256xf32>
    %add3A_85 = arith.addf %add3A_77, %dot_general3A_84 : vector<1x256xf32>
    %get3A_86 = arith.constant 0 : index
    %get3A_87 = arith.constant 0 : index
    %get3A_88 = arith.constant 0 : index
    %get3A_89 = vector.load %arg7[%get3A_86, %get3A_87, %get3A_88] : memref<3x256x256xf32, #tpu.memory_space<vmem>>, vector<1x256x256xf32>
    %get3A_90 = vector.shape_cast %get3A_89 : vector<1x256x256xf32> to vector<256x256xf32>
    %dot_general3A_91 = arith.constant dense<0.000000e+00> : vector<1x256xf32>
    %dot_general3A_92 = tpu.matmul %div3A_27, %get3A_90, %dot_general3A_91 {dimension_numbers = #tpu.dot_dimension_numbers<[1], [0], [0], [1], [0, 0, 1, 1], [], []>, transpose_lhs_hint = false} : vector<1x256xf32>, vector<256x256xf32>, vector<1x256xf32> -> vector<1x256xf32>
    %get3A_93 = arith.constant 1 : index
    %get3A_94 = arith.constant 0 : index
    %get3A_95 = arith.constant 0 : index
    %get3A_96 = vector.load %arg7[%get3A_93, %get3A_94, %get3A_95] : memref<3x256x256xf32, #tpu.memory_space<vmem>>, vector<1x256x256xf32>
    %get3A_97 = vector.shape_cast %get3A_96 : vector<1x256x256xf32> to vector<256x256xf32>
    %dot_general3A_98 = arith.constant dense<0.000000e+00> : vector<1x256xf32>
    %dot_general3A_99 = tpu.matmul %div3A_41, %get3A_97, %dot_general3A_98 {dimension_numbers = #tpu.dot_dimension_numbers<[1], [0], [0], [1], [0, 0, 1, 1], [], []>, transpose_lhs_hint = false} : vector<1x256xf32>, vector<256x256xf32>, vector<1x256xf32> -> vector<1x256xf32>
    %add3A_100 = arith.addf %dot_general3A_92, %dot_general3A_99 : vector<1x256xf32>
    %get3A_101 = arith.constant 2 : index
    %get3A_102 = arith.constant 0 : index
    %get3A_103 = arith.constant 0 : index
    %get3A_104 = vector.load %arg7[%get3A_101, %get3A_102, %get3A_103] : memref<3x256x256xf32, #tpu.memory_space<vmem>>, vector<1x256x256xf32>
    %get3A_105 = vector.shape_cast %get3A_104 : vector<1x256x256xf32> to vector<256x256xf32>
    %dot_general3A_106 = arith.constant dense<0.000000e+00> : vector<1x256xf32>
    %dot_general3A_107 = tpu.matmul %div3A_34, %get3A_105, %dot_general3A_106 {dimension_numbers = #tpu.dot_dimension_numbers<[1], [0], [0], [1], [0, 0, 1, 1], [], []>, transpose_lhs_hint = false} : vector<1x256xf32>, vector<256x256xf32>, vector<1x256xf32> -> vector<1x256xf32>
    %add3A_108 = arith.addf %add3A_100, %dot_general3A_107 : vector<1x256xf32>
    %slice3A_109 = vector.extract_strided_slice %get3A_1 {offsets = [0, 0], sizes = [128, 256], strides = [1, 1]} : vector<512x256xf32> to vector<128x256xf32>
    %get3A_110 = arith.constant 0 : index
    %get3A_111 = arith.constant 0 : index
    %get3A_112 = vector.load %arg2[%get3A_110, %get3A_111] : memref<256x256xf32, #tpu.memory_space<vmem>>, vector<256x256xf32>
    %dot_general3A_113 = arith.constant dense<0.000000e+00> : vector<128x256xf32>
    %dot_general3A_114 = tpu.matmul %slice3A_109, %get3A_112, %dot_general3A_113 {dimension_numbers = #tpu.dot_dimension_numbers<[1], [0], [0], [1], [0, 0, 1, 1], [], []>, transpose_lhs_hint = false} : vector<128x256xf32>, vector<256x256xf32>, vector<128x256xf32> -> vector<128x256xf32>
    %slice3A_115 = vector.extract_strided_slice %mul3A_8 {offsets = [0, 0], sizes = [128, 128], strides = [1, 1]} : vector<512x128xf32> to vector<128x128xf32>
    %get3A_116 = arith.constant 0 : index
    %get3A_117 = arith.constant 0 : index
    %get3A_118 = arith.constant 0 : index
    %get3A_119 = vector.load %arg4[%get3A_116, %get3A_117, %get3A_118] : memref<3x128x256xf32, #tpu.memory_space<vmem>>, vector<1x128x256xf32>
    %get3A_120 = vector.shape_cast %get3A_119 : vector<1x128x256xf32> to vector<128x256xf32>
    %dot_general3A_121 = arith.constant dense<0.000000e+00> : vector<128x256xf32>
    %dot_general3A_122 = tpu.matmul %slice3A_115, %get3A_120, %dot_general3A_121 {dimension_numbers = #tpu.dot_dimension_numbers<[1], [0], [0], [1], [0, 0, 1, 1], [], []>, transpose_lhs_hint = false} : vector<128x128xf32>, vector<128x256xf32>, vector<128x256xf32> -> vector<128x256xf32>
    %add3A_123 = arith.addf %dot_general3A_114, %dot_general3A_122 : vector<128x256xf32>
    %slice3A_124 = vector.extract_strided_slice %mul3A_16 {offsets = [0, 0], sizes = [128, 128], strides = [1, 1]} : vector<512x128xf32> to vector<128x128xf32>
    %get3A_125 = arith.constant 1 : index
    %get3A_126 = arith.constant 0 : index
    %get3A_127 = arith.constant 0 : index
    %get3A_128 = vector.load %arg4[%get3A_125, %get3A_126, %get3A_127] : memref<3x128x256xf32, #tpu.memory_space<vmem>>, vector<1x128x256xf32>
    %get3A_129 = vector.shape_cast %get3A_128 : vector<1x128x256xf32> to vector<128x256xf32>
    %dot_general3A_130 = arith.constant dense<0.000000e+00> : vector<128x256xf32>
    %dot_general3A_131 = tpu.matmul %slice3A_124, %get3A_129, %dot_general3A_130 {dimension_numbers = #tpu.dot_dimension_numbers<[1], [0], [0], [1], [0, 0, 1, 1], [], []>, transpose_lhs_hint = false} : vector<128x128xf32>, vector<128x256xf32>, vector<128x256xf32> -> vector<128x256xf32>
    %add3A_132 = arith.addf %add3A_123, %dot_general3A_131 : vector<128x256xf32>
    %slice3A_133 = vector.extract_strided_slice %mul3A_24 {offsets = [0, 0], sizes = [128, 128], strides = [1, 1]} : vector<512x128xf32> to vector<128x128xf32>
    %get3A_134 = arith.constant 2 : index
    %get3A_135 = arith.constant 0 : index
    %get3A_136 = arith.constant 0 : index
    %get3A_137 = vector.load %arg4[%get3A_134, %get3A_135, %get3A_136] : memref<3x128x256xf32, #tpu.memory_space<vmem>>, vector<1x128x256xf32>
    %get3A_138 = vector.shape_cast %get3A_137 : vector<1x128x256xf32> to vector<128x256xf32>
    %dot_general3A_139 = arith.constant dense<0.000000e+00> : vector<128x256xf32>
    %dot_general3A_140 = tpu.matmul %slice3A_133, %get3A_138, %dot_general3A_139 {dimension_numbers = #tpu.dot_dimension_numbers<[1], [0], [0], [1], [0, 0, 1, 1], [], []>, transpose_lhs_hint = false} : vector<128x128xf32>, vector<128x256xf32>, vector<128x256xf32> -> vector<128x256xf32>
    %add3A_141 = arith.addf %add3A_132, %dot_general3A_140 : vector<128x256xf32>
    %add3A_142 = vector.broadcast %add3A_62 : vector<1x256xf32> to vector<128x256xf32>
    %add3A_143 = arith.addf %add3A_141, %add3A_142 : vector<128x256xf32>
    %get3A_144 = arith.constant 0 : index
    %get3A_145 = arith.constant 0 : index
    %get3A_146 = vector.load %arg8[%get3A_144, %get3A_145] : memref<1x256xf32, #tpu.memory_space<vmem>>, vector<1x256xf32>
    %add3A_147 = vector.broadcast %get3A_146 : vector<1x256xf32> to vector<128x256xf32>
    %add3A_148 = arith.addf %add3A_143, %add3A_147 : vector<128x256xf32>
    %slice3A_149 = vector.extract_strided_slice %get3A_1 {offsets = [128, 0], sizes = [192, 256], strides = [1, 1]} : vector<512x256xf32> to vector<192x256xf32>
    %get3A_150 = arith.constant 0 : index
    %get3A_151 = arith.constant 0 : index
    %get3A_152 = vector.load %arg3[%get3A_150, %get3A_151] : memref<256x256xf32, #tpu.memory_space<vmem>>, vector<256x256xf32>
    %dot_general3A_153 = arith.constant dense<0.000000e+00> : vector<192x256xf32>
    %dot_general3A_154 = tpu.matmul %slice3A_149, %get3A_152, %dot_general3A_153 {dimension_numbers = #tpu.dot_dimension_numbers<[1], [0], [0], [1], [0, 0, 1, 1], [], []>, transpose_lhs_hint = false} : vector<192x256xf32>, vector<256x256xf32>, vector<192x256xf32> -> vector<192x256xf32>
    %slice3A_155 = vector.extract_strided_slice %mul3A_8 {offsets = [128, 0], sizes = [192, 128], strides = [1, 1]} : vector<512x128xf32> to vector<192x128xf32>
    %get3A_156 = arith.constant 0 : index
    %get3A_157 = arith.constant 0 : index
    %get3A_158 = arith.constant 0 : index
    %get3A_159 = vector.load %arg5[%get3A_156, %get3A_157, %get3A_158] : memref<3x128x256xf32, #tpu.memory_space<vmem>>, vector<1x128x256xf32>
    %get3A_160 = vector.shape_cast %get3A_159 : vector<1x128x256xf32> to vector<128x256xf32>
    %dot_general3A_161 = arith.constant dense<0.000000e+00> : vector<192x256xf32>
    %dot_general3A_162 = tpu.matmul %slice3A_155, %get3A_160, %dot_general3A_161 {dimension_numbers = #tpu.dot_dimension_numbers<[1], [0], [0], [1], [0, 0, 1, 1], [], []>, transpose_lhs_hint = false} : vector<192x128xf32>, vector<128x256xf32>, vector<192x256xf32> -> vector<192x256xf32>
    %add3A_163 = arith.addf %dot_general3A_154, %dot_general3A_162 : vector<192x256xf32>
    %slice3A_164 = vector.extract_strided_slice %mul3A_16 {offsets = [128, 0], sizes = [192, 128], strides = [1, 1]} : vector<512x128xf32> to vector<192x128xf32>
    %get3A_165 = arith.constant 1 : index
    %get3A_166 = arith.constant 0 : index
    %get3A_167 = arith.constant 0 : index
    %get3A_168 = vector.load %arg5[%get3A_165, %get3A_166, %get3A_167] : memref<3x128x256xf32, #tpu.memory_space<vmem>>, vector<1x128x256xf32>
    %get3A_169 = vector.shape_cast %get3A_168 : vector<1x128x256xf32> to vector<128x256xf32>
    %dot_general3A_170 = arith.constant dense<0.000000e+00> : vector<192x256xf32>
    %dot_general3A_171 = tpu.matmul %slice3A_164, %get3A_169, %dot_general3A_170 {dimension_numbers = #tpu.dot_dimension_numbers<[1], [0], [0], [1], [0, 0, 1, 1], [], []>, transpose_lhs_hint = false} : vector<192x128xf32>, vector<128x256xf32>, vector<192x256xf32> -> vector<192x256xf32>
    %add3A_172 = arith.addf %add3A_163, %dot_general3A_171 : vector<192x256xf32>
    %slice3A_173 = vector.extract_strided_slice %mul3A_24 {offsets = [128, 0], sizes = [192, 128], strides = [1, 1]} : vector<512x128xf32> to vector<192x128xf32>
    %get3A_174 = arith.constant 2 : index
    %get3A_175 = arith.constant 0 : index
    %get3A_176 = arith.constant 0 : index
    %get3A_177 = vector.load %arg5[%get3A_174, %get3A_175, %get3A_176] : memref<3x128x256xf32, #tpu.memory_space<vmem>>, vector<1x128x256xf32>
    %get3A_178 = vector.shape_cast %get3A_177 : vector<1x128x256xf32> to vector<128x256xf32>
    %dot_general3A_179 = arith.constant dense<0.000000e+00> : vector<192x256xf32>
    %dot_general3A_180 = tpu.matmul %slice3A_173, %get3A_178, %dot_general3A_179 {dimension_numbers = #tpu.dot_dimension_numbers<[1], [0], [0], [1], [0, 0, 1, 1], [], []>, transpose_lhs_hint = false} : vector<192x128xf32>, vector<128x256xf32>, vector<192x256xf32> -> vector<192x256xf32>
    %add3A_181 = arith.addf %add3A_172, %dot_general3A_180 : vector<192x256xf32>
    %add3A_182 = vector.broadcast %add3A_85 : vector<1x256xf32> to vector<192x256xf32>
    %add3A_183 = arith.addf %add3A_181, %add3A_182 : vector<192x256xf32>
    %get3A_184 = arith.constant 0 : index
    %get3A_185 = arith.constant 0 : index
    %get3A_186 = vector.load %arg9[%get3A_184, %get3A_185] : memref<1x256xf32, #tpu.memory_space<vmem>>, vector<1x256xf32>
    %add3A_187 = vector.broadcast %get3A_186 : vector<1x256xf32> to vector<192x256xf32>
    %add3A_188 = arith.addf %add3A_183, %add3A_187 : vector<192x256xf32>
    %slice3A_189 = vector.extract_strided_slice %get3A_1 {offsets = [320, 0], sizes = [192, 256], strides = [1, 1]} : vector<512x256xf32> to vector<192x256xf32>
    %get3A_190 = arith.constant 0 : index
    %get3A_191 = arith.constant 0 : index
    %get3A_192 = vector.load %arg3[%get3A_190, %get3A_191] : memref<256x256xf32, #tpu.memory_space<vmem>>, vector<256x256xf32>
    %dot_general3A_193 = arith.constant dense<0.000000e+00> : vector<192x256xf32>
    %dot_general3A_194 = tpu.matmul %slice3A_189, %get3A_192, %dot_general3A_193 {dimension_numbers = #tpu.dot_dimension_numbers<[1], [0], [0], [1], [0, 0, 1, 1], [], []>, transpose_lhs_hint = false} : vector<192x256xf32>, vector<256x256xf32>, vector<192x256xf32> -> vector<192x256xf32>
    %slice3A_195 = vector.extract_strided_slice %mul3A_8 {offsets = [320, 0], sizes = [192, 128], strides = [1, 1]} : vector<512x128xf32> to vector<192x128xf32>
    %get3A_196 = arith.constant 0 : index
    %get3A_197 = arith.constant 0 : index
    %get3A_198 = arith.constant 0 : index
    %get3A_199 = vector.load %arg5[%get3A_196, %get3A_197, %get3A_198] : memref<3x128x256xf32, #tpu.memory_space<vmem>>, vector<1x128x256xf32>
    %get3A_200 = vector.shape_cast %get3A_199 : vector<1x128x256xf32> to vector<128x256xf32>
    %dot_general3A_201 = arith.constant dense<0.000000e+00> : vector<192x256xf32>
    %dot_general3A_202 = tpu.matmul %slice3A_195, %get3A_200, %dot_general3A_201 {dimension_numbers = #tpu.dot_dimension_numbers<[1], [0], [0], [1], [0, 0, 1, 1], [], []>, transpose_lhs_hint = false} : vector<192x128xf32>, vector<128x256xf32>, vector<192x256xf32> -> vector<192x256xf32>
    %add3A_203 = arith.addf %dot_general3A_194, %dot_general3A_202 : vector<192x256xf32>
    %slice3A_204 = vector.extract_strided_slice %mul3A_24 {offsets = [320, 0], sizes = [192, 128], strides = [1, 1]} : vector<512x128xf32> to vector<192x128xf32>
    %get3A_205 = arith.constant 1 : index
    %get3A_206 = arith.constant 0 : index
    %get3A_207 = arith.constant 0 : index
    %get3A_208 = vector.load %arg5[%get3A_205, %get3A_206, %get3A_207] : memref<3x128x256xf32, #tpu.memory_space<vmem>>, vector<1x128x256xf32>
    %get3A_209 = vector.shape_cast %get3A_208 : vector<1x128x256xf32> to vector<128x256xf32>
    %dot_general3A_210 = arith.constant dense<0.000000e+00> : vector<192x256xf32>
    %dot_general3A_211 = tpu.matmul %slice3A_204, %get3A_209, %dot_general3A_210 {dimension_numbers = #tpu.dot_dimension_numbers<[1], [0], [0], [1], [0, 0, 1, 1], [], []>, transpose_lhs_hint = false} : vector<192x128xf32>, vector<128x256xf32>, vector<192x256xf32> -> vector<192x256xf32>
    %add3A_212 = arith.addf %add3A_203, %dot_general3A_211 : vector<192x256xf32>
    %slice3A_213 = vector.extract_strided_slice %mul3A_16 {offsets = [320, 0], sizes = [192, 128], strides = [1, 1]} : vector<512x128xf32> to vector<192x128xf32>
    %get3A_214 = arith.constant 2 : index
    %get3A_215 = arith.constant 0 : index
    %get3A_216 = arith.constant 0 : index
    %get3A_217 = vector.load %arg5[%get3A_214, %get3A_215, %get3A_216] : memref<3x128x256xf32, #tpu.memory_space<vmem>>, vector<1x128x256xf32>
    %get3A_218 = vector.shape_cast %get3A_217 : vector<1x128x256xf32> to vector<128x256xf32>
    %dot_general3A_219 = arith.constant dense<0.000000e+00> : vector<192x256xf32>
    %dot_general3A_220 = tpu.matmul %slice3A_213, %get3A_218, %dot_general3A_219 {dimension_numbers = #tpu.dot_dimension_numbers<[1], [0], [0], [1], [0, 0, 1, 1], [], []>, transpose_lhs_hint = false} : vector<192x128xf32>, vector<128x256xf32>, vector<192x256xf32> -> vector<192x256xf32>
    %add3A_221 = arith.addf %add3A_212, %dot_general3A_220 : vector<192x256xf32>
    %add3A_222 = vector.broadcast %add3A_108 : vector<1x256xf32> to vector<192x256xf32>
    %add3A_223 = arith.addf %add3A_221, %add3A_222 : vector<192x256xf32>
    %get3A_224 = arith.constant 0 : index
    %get3A_225 = arith.constant 0 : index
    %get3A_226 = vector.load %arg9[%get3A_224, %get3A_225] : memref<1x256xf32, #tpu.memory_space<vmem>>, vector<1x256xf32>
    %add3A_227 = vector.broadcast %get3A_226 : vector<1x256xf32> to vector<192x256xf32>
    %add3A_228 = arith.addf %add3A_223, %add3A_227 : vector<192x256xf32>
    %slice3A_229 = vector.extract_strided_slice %get3A_1 {offsets = [0, 0], sizes = [128, 256], strides = [1, 1]} : vector<512x256xf32> to vector<128x256xf32>
    %integer_pow3A = arith.mulf %add3A_148, %add3A_148 : vector<128x256xf32>
    %integer_pow3A_230 = arith.mulf %add3A_148, %integer_pow3A : vector<128x256xf32>
    %mul3A_231 = arith.constant 4.471500e-02 : f32
    %mul3A_232 = vector.broadcast %mul3A_231 : f32 to vector<128x256xf32>
    %mul3A_233 = arith.mulf %mul3A_232, %integer_pow3A_230 : vector<128x256xf32>
    %add3A_234 = arith.addf %add3A_148, %mul3A_233 : vector<128x256xf32>
    %mul3A_235 = arith.constant 0.797884583 : f32
    %mul3A_236 = vector.broadcast %mul3A_235 : f32 to vector<128x256xf32>
    %mul3A_237 = arith.mulf %mul3A_236, %add3A_234 : vector<128x256xf32>
    %tanh3A = math.tanh %mul3A_237 : vector<128x256xf32>
    %add3A_238 = arith.constant 1.000000e+00 : f32
    %add3A_239 = vector.broadcast %add3A_238 : f32 to vector<128x256xf32>
    %add3A_240 = arith.addf %add3A_239, %tanh3A : vector<128x256xf32>
    %mul3A_241 = arith.constant 5.000000e-01 : f32
    %mul3A_242 = vector.broadcast %mul3A_241 : f32 to vector<128x256xf32>
    %mul3A_243 = arith.mulf %mul3A_242, %add3A_240 : vector<128x256xf32>
    %mul3A_244 = arith.mulf %add3A_148, %mul3A_243 : vector<128x256xf32>
    %mul3A_245 = arith.constant 1.41421354 : f32
    %mul3A_246 = vector.broadcast %mul3A_245 : f32 to vector<128x256xf32>
    %mul3A_247 = arith.mulf %mul3A_244, %mul3A_246 : vector<128x256xf32>
    %add3A_248 = arith.addf %slice3A_229, %mul3A_247 : vector<128x256xf32>
    %mul3A_249 = arith.constant 0.707106769 : f32
    %mul3A_250 = vector.broadcast %mul3A_249 : f32 to vector<128x256xf32>
    %mul3A_251 = arith.mulf %add3A_248, %mul3A_250 : vector<128x256xf32>
    %swap3A = arith.constant 0 : index
    %swap3A_252 = arith.constant 0 : index
    %swap3A_253 = vector.load %arg10[%swap3A, %swap3A_252] : memref<512x256xf32, #tpu.memory_space<vmem>>, vector<128x256xf32>
    tpu.vector_store %arg10[%swap3A, %swap3A_252], %mul3A_251 {strides = array<i32>} : memref<512x256xf32, #tpu.memory_space<vmem>>, vector<128x256xf32>,
    %slice3A_254 = vector.extract_strided_slice %get3A_1 {offsets = [128, 0], sizes = [192, 256], strides = [1, 1]} : vector<512x256xf32> to vector<192x256xf32>
    %integer_pow3A_255 = arith.mulf %add3A_188, %add3A_188 : vector<192x256xf32>
    %integer_pow3A_256 = arith.mulf %add3A_188, %integer_pow3A_255 : vector<192x256xf32>
    %mul3A_257 = arith.constant 4.471500e-02 : f32
    %mul3A_258 = vector.broadcast %mul3A_257 : f32 to vector<192x256xf32>
    %mul3A_259 = arith.mulf %mul3A_258, %integer_pow3A_256 : vector<192x256xf32>
    %add3A_260 = arith.addf %add3A_188, %mul3A_259 : vector<192x256xf32>
    %mul3A_261 = arith.constant 0.797884583 : f32
    %mul3A_262 = vector.broadcast %mul3A_261 : f32 to vector<192x256xf32>
    %mul3A_263 = arith.mulf %mul3A_262, %add3A_260 : vector<192x256xf32>
    %tanh3A_264 = math.tanh %mul3A_263 : vector<192x256xf32>
    %add3A_265 = arith.constant 1.000000e+00 : f32
    %add3A_266 = vector.broadcast %add3A_265 : f32 to vector<192x256xf32>
    %add3A_267 = arith.addf %add3A_266, %tanh3A_264 : vector<192x256xf32>
    %mul3A_268 = arith.constant 5.000000e-01 : f32
    %mul3A_269 = vector.broadcast %mul3A_268 : f32 to vector<192x256xf32>
    %mul3A_270 = arith.mulf %mul3A_269, %add3A_267 : vector<192x256xf32>
    %mul3A_271 = arith.mulf %add3A_188, %mul3A_270 : vector<192x256xf32>
    %mul3A_272 = arith.constant 1.41421354 : f32
    %mul3A_273 = vector.broadcast %mul3A_272 : f32 to vector<192x256xf32>
    %mul3A_274 = arith.mulf %mul3A_271, %mul3A_273 : vector<192x256xf32>
    %add3A_275 = arith.addf %slice3A_254, %mul3A_274 : vector<192x256xf32>
    %mul3A_276 = arith.constant 0.707106769 : f32
    %mul3A_277 = vector.broadcast %mul3A_276 : f32 to vector<192x256xf32>
    %mul3A_278 = arith.mulf %add3A_275, %mul3A_277 : vector<192x256xf32>
    %swap3A_279 = arith.constant 128 : index
    %swap3A_280 = arith.constant 0 : index
    %swap3A_281 = vector.load %arg10[%swap3A_279, %swap3A_280] : memref<512x256xf32, #tpu.memory_space<vmem>>, vector<192x256xf32>
    tpu.vector_store %arg10[%swap3A_279, %swap3A_280], %mul3A_278 {strides = array<i32>} : memref<512x256xf32, #tpu.memory_space<vmem>>, vector<192x256xf32>,
    %slice3A_282 = vector.extract_strided_slice %get3A_1 {offsets = [320, 0], sizes = [192, 256], strides = [1, 1]} : vector<512x256xf32> to vector<192x256xf32>
    %integer_pow3A_283 = arith.mulf %add3A_228, %add3A_228 : vector<192x256xf32>
    %integer_pow3A_284 = arith.mulf %add3A_228, %integer_pow3A_283 : vector<192x256xf32>
    %mul3A_285 = arith.constant 4.471500e-02 : f32
    %mul3A_286 = vector.broadcast %mul3A_285 : f32 to vector<192x256xf32>
    %mul3A_287 = arith.mulf %mul3A_286, %integer_pow3A_284 : vector<192x256xf32>
    %add3A_288 = arith.addf %add3A_228, %mul3A_287 : vector<192x256xf32>
    %mul3A_289 = arith.constant 0.797884583 : f32
    %mul3A_290 = vector.broadcast %mul3A_289 : f32 to vector<192x256xf32>
    %mul3A_291 = arith.mulf %mul3A_290, %add3A_288 : vector<192x256xf32>
    %tanh3A_292 = math.tanh %mul3A_291 : vector<192x256xf32>
    %add3A_293 = arith.constant 1.000000e+00 : f32
    %add3A_294 = vector.broadcast %add3A_293 : f32 to vector<192x256xf32>
    %add3A_295 = arith.addf %add3A_294, %tanh3A_292 : vector<192x256xf32>
    %mul3A_296 = arith.constant 5.000000e-01 : f32
    %mul3A_297 = vector.broadcast %mul3A_296 : f32 to vector<192x256xf32>
    %mul3A_298 = arith.mulf %mul3A_297, %add3A_295 : vector<192x256xf32>
    %mul3A_299 = arith.mulf %add3A_228, %mul3A_298 : vector<192x256xf32>
    %mul3A_300 = arith.constant 1.41421354 : f32
    %mul3A_301 = vector.broadcast %mul3A_300 : f32 to vector<192x256xf32>
    %mul3A_302 = arith.mulf %mul3A_299, %mul3A_301 : vector<192x256xf32>
    %add3A_303 = arith.addf %slice3A_282, %mul3A_302 : vector<192x256xf32>
    %mul3A_304 = arith.constant 0.707106769 : f32
    %mul3A_305 = vector.broadcast %mul3A_304 : f32 to vector<192x256xf32>
    %mul3A_306 = arith.mulf %add3A_303, %mul3A_305 : vector<192x256xf32>
    %swap3A_307 = arith.constant 320 : index
    %swap3A_308 = arith.constant 0 : index
    %swap3A_309 = vector.load %arg10[%swap3A_307, %swap3A_308] : memref<512x256xf32, #tpu.memory_space<vmem>>, vector<192x256xf32>
    tpu.vector_store %arg10[%swap3A_307, %swap3A_308], %mul3A_306 {strides = array<i32>} : memref<512x256xf32, #tpu.memory_space<vmem>>, vector<192x256xf32>,
    return
  }
}

</mosaic_0001>

<sc_bundles>
// kernel: sparse-core-data-format-call.cloned.1.call-start
scs
called_computation_lowered:
.L_overlay_start_0:
0x0: {  	s2 =	sld [smem:$0x3FD9]  }
0x1: {  	s3 =	sld [smem:$0x3FFE];
	_ =	sdelay $0x1  }
0x2: {  	s1 =	srdreg.scid  }
0x3: {  	s0 =	sand.u32 $0x1, s1  }
0x4: {  	s15 =	sshll.u32 s0, $0xA;
	s2 =	sadd.s32 s3, s2  }
0x5: {  	s2 =	sadd.s32 s2, s15  }
0x6: {  	[smem:$0x3FC0] =	sst s2  }
0x7: {  	_ = 	snop  }
0x8: {  	s2 =	sld [smem:$0x3FD0];
	_ =	sdelay $0x2  }
0x9: {  	s16 =	simm.s32 $0xA;
	s4 =	simm.s32 $0x10  }
0xa: {  	[smem:s4], [sflag:s16] =	dma.local [hbm:s2], $0x1  }
0xb: {  	_ =	swait.eq [sflag:s16], $0x1  }
0xc: {  	[sflag:s16] =	ssyncset.done $0x0  }
0xd: {  	[sflag:s16] =	ssyncadd.s32 $0xFFFFFFFF  }
0xe: {  	s17 =	sld [smem:$0x11];
	(tm) =	ssettm $0x1  }
0xf: {  	s18 =	sld [smem:$0x3FFB];
	_ =	sdelay $0x3  }
0x10: {  	_ =	strace s18  }
0x11: {  	s3 =	sld [smem:$0x3FFC];
	_ =	sdelay $0x3  }
0x12: {  	_ =	strace s3  }
0x13: {  	s3 =	sld [smem:$0x3FFD];
	_ =	sdelay $0x3  }
0x14: {  	_ =	strace s3  }
0x15: {  	_ =	strace $0x8FFFFFFF  }
0x16: {  	s19 =	sld [smem:$0x3FDB];
	_ =	sdelay $0x1  }
0x17: {  	s20 =	simm.s32 $_scs_section_size  }
0x18: {  	s5 =	simm.s32 $_size__tile_overlayer_lowered;
	s6 =	simm.s32 $_tile_overlayer_lowered  }
0x19: {  	s23 =	simm.s32 $0x1BFF;
	s22 =	sshll.u32 s6, $0x1;
	s3 =	sadd.s32 s20, s19  }
0x1a: {  	s7 =	simm.s32 $0x0;
	s21 =	sshll.u32 s5, $0x1;
	s5 =	sadd.s32 s22, s3  }
0x1b: {  	[timem:s7], [sflag:s23] =	dma.local [hbm:s5], s21  }
0x1c: {  	_ =	swait.ge [sflag:s23], s21  }
0x1d: {  	s4 =	ssub.s32 $0x0, s21;
	[sflag:s23] =	ssyncset.done $0x0  }
0x1e: {  	[sflag:s23] =	ssyncadd.s32 s4;
	_ =	sdelay $0x1  }
0x1f: {  	s24 =	simm.s32 $0x1B8B  }
0x20: {  	_ =	swait.ge [sflag:s24], $0x1  }
0x21: {  	[sflag:s24] =	ssyncset.done $0x0  }
0x22: {  	s26 =	simm.s32 $0x1B8E;
	s25 =	sld [smem:$0x3FFE];
	[sflag:s24] =	ssyncadd.s32 $0xFFFFFFFF  }
0x23: {  	s27 =	simm.s32 $execute0_lowered;
	[smem:$0x3FD2] =	sst s26  }
0x24: {  	s5 =	sshll.u32 s27, $0x1;
	_ =	strace $0x80000046;
	[dreg:$0x1] =	wrdreg $0xFFFFFFFF  }
0x25: {  	s28 =	simm.s32 $_size_execute0_lowered;
	s3 =	sadd.s32 s3, s5;
	[dreg:$0x0] =	wrdreg $0x0  }
0x26: {  	s5 =	sshll.u32 s28, $0x1;
	[dreg:$0x2] =	wrdreg s3  }
0x27: {  	[dreg:$0x3] =	wrdreg s5  }
0x28: {  	[dreg:$0x4] =	wrdreg $0xC0  }
0x29: {  	_ =	task [dreg:s7], $0x5FFFF  }
0x2a: {  	[dreg:$0x1] =	wrdreg $0xFFFFFFFF  }
0x2b: {  	[dreg:$0x0] =	wrdreg $0x60  }
0x2c: {  	[dreg:$0x2] =	wrdreg s25  }
0x2d: {  	[dreg:$0x3] =	wrdreg s17  }
0x2e: {  	[dreg:$0x4] =	wrdreg $0x9  }
0x2f: {  	_ =	task.clear_ibuf [dreg:s7], $0x5FFFF;
	_ =	strace $0x90000046  }
0x30: {  	s29 =	simm.s32 $0x9;
	_ =	strace $0x80000048  }
0x31: {  	_ =	swait.ge [sflag:s29], $0x1  }
0x32: {  	[sflag:s29] =	ssyncadd.s32 $0xFFFFFFFF  }
0x33: {  	_ =	strace $0x90000048  }
0x34: {  	_ =	sfence  }
0x35: {  	s30 =	sld [smem:$0x0];
	_ =	sdelay $0x2  }
0x36: {  	s31 =	sshll.u32 s1, $0xD;
	s1 =	sshrl.u32 s1, $0x2  }
0x37: {  	s3 =	sand.u32 $0x4000, s31;
	s1 =	sadd.s32 s1, s30  }
0x38: {  	s0 =	sor.u32 s3, s0;
	s1 =	sshll.u32 s1, $0x11  }
0x39: {  	s0 =	sor.u32 s1, s0  }
0x3a: {  	s0 =	sadd.s32 $0x8F2B, s0  }
0x3b: {  	[sflag:s0] =	ssyncadd.remote.s32 $0x1  }
0x3c: {  	_ =	sfence.sel $0xFFFF  }
0x3d: {  	[dreg:$0x0] =	wrdreg $0xFFFFFFFF;
	(pc) =	sbr.abs _section_cstart, $3  }
0x3e: {  	[dreg:$0x1] =	wrdreg $0xFFFFFFFF  }
0x3f: {  	_ =	task.clear_ibuf [dreg:s7], $0x2FFFF;
	_ =	strace $0x9FFFFFFF  }
0x40: {  	(tm) =	ssettm $0x7FFFFFFF  }
0x41: {  	_ =	shalt  }
tec
execute0_lowered:
.L_overlay_start_1:
0x0: {  	(tag) =	ssettag $0x1  }
0x1: {  	s4 =	rddreg [dreg:$0x0]  }
0x2: {  	s0 =	stileid.u32;
	s2 =	rddreg [dreg:$0x1]  }
0x3: {  	s1 =	rddreg [dreg:$0x2];
	_ =	strace $0x80000047;
	s5 =	srdreg.scid  }
0x4: {  	s31 =	simm.s32 $0x2;
	s14 =	simm.s32 $0x0;
	s9 =	simm.s32 $0x4000  }
0x5: {  	s16 =	simm.s32 $0x0;
	s15 =	simm.s32 $0x0;
	s3 =	sshll.u32 s0, $0x7  }
0x6: {  	s10 =	simm.s32 $0x0;
	s5 =	sshll.u32 s5, $0x4;
	s3 =	sand.u32 $0x180, s3  }
0x7: {  	s13 =	simm.s32 $0x0;
	s5 =	sand.u32 $0x10, s5;
	s6 =	ssub.s32 $0x200, s3  }
0x8: {  	s4 =	sadd.s32 $0x2000, s4;
	s5 =	sor.u32 s0, s5;
	s7 =	sand.u32 $0x180, s6  }
.Ltmp0:
0x9: {  	p0 =	sne.s32 s7, $0x0;
	s7 =	simm.s32 $0x1;
	(pc) =	sbr.rel .LBB1_1-.Ltmp0, $4  }
0xa: {  	s12 =	smov.u32 s3;
	s8 =	sshrl.u32 s6, $0x9;
	s7 =	simm.s32 @!p0 $0x0  }
0xb: {  	s5 =	sshrl.u32 s5, $0x2;
	s6 =	simm.s32 $0x1;
	s7 =	sadd.s32 s7, s8  }
0xc: {  	[sflag:s6] =	ssyncpa.u1 $0x0;
	s11 =	smov.u32 s5;
	s7 =	sshll.u32 s7, $0x4  }
0xd: {  	[sflag:s31] =	ssyncpa.u1 $0x0;
	p0 =	por $0x0, $0x0;
	s8 =	sor.u32 $0x1, s7  }
.LBB1_4:
0xe: {  	v5 =	vld [tilespmem:s19+$0xFFFFFFD0];
	[tilespmem:s20+$0x2040 ss:$0x81] =	vst.msk $0xffff, v1  }
0xf: {  	v58 =	vld [tilespmem:s19+$0xFFFFFFE0];
	[tilespmem:s20+$0x2850 ss:$0x81] =	vst.msk $0xffff, v2  }
0x10: {  	s21 =	sshra.s32 s21, $0x2;
	v59 =	vld [tilespmem:s19+$0xFFFFFFF0];
	[tilespmem:s20+$0x3060 ss:$0x81] =	vst.msk $0xffff, v3  }
0x11: {  	v60 =	vld [tilespmem:s19+$0x0];
	[tilespmem:s20+$0x0 ss:$0x81] =	vst.msk $0xffff, v0;
	s18 =	sadd.s32 s21, s18  }
0x12: {  	v61 =	vld [tilespmem:s19+$0x10];
	s25 =	sshll.u32 s16, $0x9;
	[tilespmem:s18+$0x3870 ss:$0x81] =	vst.msk $0xffff, v4  }
0x13: {  	s26 =	sshll.u32 s15, $0x3;
	v62 =	vld [tilespmem:s19+$0x20];
	s27 =	sshll.u32 s16, $0x7;
	s30 =	sand.u32 $0x78, s15;
	[tilespmem:s18+$0x810 ss:$0x81] =	vst.msk $0xffff, v5  }
0x14: {  	v63 =	vld [tilespmem:s19+$0xFFFFFFC0];
	s14 =	sshll.u32 s14, $0xB;
	s20 =	sand.u32 $0x3000, s25;
	s21 =	sand.u32 $0x3C00, s26;
	[tilespmem:s18+$0x1020 ss:$0x81] =	vst.msk $0xffff, v58  }
0x15: {  	s29 =	sand.u32 $0x200, s27;
	s16 =	sand.u32 $0x180, s27;
	s28 =	sadd.s32 s21, s20;
	[tilespmem:s18+$0x1830 ss:$0x81] =	vst.msk $0xffff, v59  }
0x16: {  	s31 =	sand.u32 $0x7, s15;
	s16 =	sor.u32 s30, s16;
	s19 =	sor.u32 s29, s28;
	[tilespmem:s18+$0x2040 ss:$0x81] =	vst.msk $0xffff, v60  }
0x17: {  	s14 =	sadd.s32 s2, s14;
	s16 =	sshrl.u32 s16, $0x3;
	s19 =	sshrl.u32 s19, $0x3;
	[tilespmem:s18+$0x2850 ss:$0x81] =	vst.msk $0xffff, v61  }
0x18: {  	s15 =	sshll.u32 s31, $0x12;
	s14 =	sadd.s32 s16, s14;
	[tilespmem:s18+$0x3060 ss:$0x81] =	vst.msk $0xffff, v62;
	s19 =	sand.u32 $0x7C0, s19  }
0x19: {  	s15 =	sor.u32 $0x80, s15;
	[tilespmem:s18+$0x0 ss:$0x81] =	vst.msk $0xffff, v63;
	s14 =	sadd.s32 s19, s14  }
0x1a: {  	[hbm4b:s14+s15] =	stream.strided.scatter [tilespmem:s17], [sflag:$0x2], $0x4000, s9, s15, $0x20;
	[tilespmem:$0x10100] =	vst v63  }
.LBB1_5:
0x1b: {  	s17 =	sadd.s32 $0x80, s10  }
0x1c: {  	s14 =	sadd.s32 $0x8, s11;
	s18 =	smov.u32 s11;
	p2 =	sgt.s32 s17, $0x1FF  }
0x1d: {  	s18 =	smov.u32 @p2 s14  }
0x1e: {  	s20 =	smov.u32 s12;
	s14 =	sadd.s32 $0x200, s12;
	p3 =	sgt.s32 s18, $0x1F  }
0x1f: {  	s20 =	smov.u32 @p3 s14  }
0x20: {  	s17 =	simm.s32 @p2 $0x0;
	p2 =	sgt.s32 s20, $0x1FF  }
0x21: {  	p1 =	slt.u32 s13, $0x2;
	s20 =	smov.u32 @p2 s3;
	p2 =	sne.s32 s13, s8  }
.Ltmp1:
0x22: {  	s19 =	simm.s32 @!p1 $0x2;
	(pc) =	sbr.rel @!p2 .LBB1_6-.Ltmp1, $4  }
0x23: {  	s16 =	smov.u32 s11;
	s15 =	smov.u32 s12;
	_ =	swait.ge @!p1 [sflag:s19], $0x4000  }
0x24: {  	p0 =	por !p0, !p0;
	[sflag:s19] =	ssyncset.done @!p1 $0x0;
	s18 =	smov.u32 @p3 s5  }
0x25: {  	s14 =	smov.u32 s10;
	[sflag:s19] =	ssyncadd.s32 @!p1 $0xFFFFC000;
	s10 =	smov.u32 s17  }
0x26: {  	s11 =	smov.u32 s18;
	s13 =	sadd.s32 $0x1, s13;
	s12 =	smov.u32 s20  }
.LBB1_1:
0x27: {  	p1 =	sge.u32 s13, s7  }
0x28: {  	s31 =	sadd.s32 $0xFFFFFFFF, s13;
	s17 =	sxor.u32 @!p1 $0xFFFFFFFF, s13  }
0x29: {  	s18 =	sshll.u32 @!p1 s11, $0x9;
	s19 =	sshll.u32 @!p1 s10, $0x3;
	s20 =	sshll.u32 @!p1 s11, $0x7  }
0x2a: {  	s21 =	sand.u32 @!p1 $0x78, s10;
	s18 =	sand.u32 @!p1 $0x3000, s18;
	s19 =	sand.u32 @!p1 $0x3C00, s19  }
0x2b: {  	s17 =	sshll.u32 @!p1 s17, $0xE;
	s18 =	sadd.s32 @!p1 s18, s19;
	s19 =	sand.u32 @!p1 $0x200, s20  }
0x2c: {  	s17 =	sand.u32 @!p1 $0x4000, s17;
	s18 =	sor.u32 @!p1 s19, s18;
	s19 =	sand.u32 @!p1 $0x180, s20  }
0x2d: {  	s20 =	sshll.u32 @!p1 s12, $0xB;
	s19 =	sor.u32 @!p1 s21, s19;
	s18 =	sshrl.u32 @!p1 s18, $0x3  }
0x2e: {  	s20 =	sadd.s32 @!p1 s4, s20;
	s21 =	sand.u32 @!p1 $0x7, s10;
	s19 =	sshrl.u32 @!p1 s19, $0x3  }
0x2f: {  	s18 =	sand.u32 @!p1 $0x7C0, s18;
	s19 =	sadd.s32 @!p1 s19, s20;
	s20 =	sshll.u32 @!p1 s21, $0x12  }
0x30: {  	s18 =	sadd.s32 @!p1 s18, s19;
	s19 =	sor.u32 @!p1 $0x80, s20;
	s20 =	simm.s32 @!p1 $0x4000  }
0x31: {  	[tilespmem:s17], [sflag:$0x1] =	stream.strided.gather @!p1 [hbm4b:s18+s19], $0x4000, s20, s19, $0x38;
	[tilespmem:$0x10100] =	vst v63  }
0x32: {  	p1 =	sge.u32 s31, s7  }
.Ltmp2:
0x33: {  	_ = 	snop;
	(pc) =	sbr.rel @p1 .LBB1_5-.Ltmp2, $1  }
0x34: {  	_ =	sdelay $0x3  }
0x35: {  	s17 =	simm.s32 $0x1  }
0x36: {  	_ =	swait.ge [sflag:s6], $0x4000;
	s17 =	simm.s32 @!p0 $0x0  }
0x37: {  	[sflag:s6] =	ssyncset.done $0x0;
	s18 =	sshll.u32 s17, $0xE  }
0x38: {  	[sflag:s6] =	ssyncadd.s32 $0xFFFFC000;
	s19 =	sor.u32 $0x40, s18  }
0x39: {  	s17 =	smul.u32 $0x10200, s17;
	v0 =	vld [tilespmem:s19+$0x30]  }
0x3a: {  	v3 =	vld [tilespmem:s19+$0xFFFFFFD0]  }
0x3b: {  	s17 =	sshrl.u32 s17, $0x2;
	v4 =	vld [tilespmem:s19+$0xFFFFFFE0]  }
0x3c: {  	v5 =	vld [tilespmem:s19+$0xFFFFFFF0];
	s18 =	sor.u32 $0x8000, s17  }
0x3d: {  	s31 =	sand.u32 $0x1, s13;
	v1 =	vld [tilespmem:s19+$0x0];
	s20 =	sadd.s32 $0x0, s18  }
0x3e: {  	v2 =	vld [tilespmem:s19+$0x10];
	s17 =	smul.u32 $0x10200, s31;
	[tilespmem:s20+$0x3870 ss:$0x81] =	vst.msk $0xffff, v0  }
0x3f: {  	[tilespmem:s20+$0x810 ss:$0x81] =	vst.msk $0xffff, v3;
	v3 =	vld [tilespmem:s19+$0x20]  }
0x40: {  	s17 =	sshrl.u32 s17, $0x2;
	v0 =	vld [tilespmem:s19+$0xFFFFFFC0];
	[tilespmem:s20+$0x1020 ss:$0x81] =	vst.msk $0xffff, v4;
	s19 =	sadd.s32 $0x80, s19  }
0x41: {  	s21 =	simm.s32 $0x4;
	s22 =	simm.s32 $0x8;
	s17 =	sor.u32 $0x8000, s17;
	[tilespmem:s20+$0x1830 ss:$0x81] =	vst.msk $0xffff, v5;
	v4 =	vld [tilespmem:s19+$0x30]  }
.LBB1_3:
0x42: {  	p1 =	sne.s32 s22, $0x1FC;
	v5 =	vld [tilespmem:s19+$0xFFFFFFD0];
	[tilespmem:s20+$0x2040 ss:$0x81] =	vst.msk $0xffff, v1  }
0x43: {  	v6 =	vld [tilespmem:s19+$0xFFFFFFE0];
	[tilespmem:s20+$0x2850 ss:$0x81] =	vst.msk $0xffff, v2  }
0x44: {  	s23 =	sshra.s32 s21, $0x2;
	s21 =	smov.u32 s22;
	v7 =	vld [tilespmem:s19+$0xFFFFFFF0];
	[tilespmem:s20+$0x3060 ss:$0x81] =	vst.msk $0xffff, v3  }
.Ltmp3:
0x45: {  	v1 =	vld [tilespmem:s19+$0x0];
	[tilespmem:s20+$0x0 ss:$0x81] =	vst.msk $0xffff, v0;
	s20 =	sadd.s32 s23, s18;
	(pc) =	sbr.rel @p1 .LBB1_3-.Ltmp3, $4  }
0x46: {  	v2 =	vld [tilespmem:s19+$0x10];
	[tilespmem:s20+$0x3870 ss:$0x81] =	vst.msk $0xffff, v4  }
0x47: {  	[tilespmem:s20+$0x810 ss:$0x81] =	vst.msk $0xffff, v5;
	v3 =	vld [tilespmem:s19+$0x20]  }
0x48: {  	v0 =	vld [tilespmem:s19+$0xFFFFFFC0];
	[tilespmem:s20+$0x1020 ss:$0x81] =	vst.msk $0xffff, v6;
	s19 =	sadd.s32 $0x80, s19  }
0x49: {  	s22 =	sadd.s32 $0x4, s22;
	v4 =	vld [tilespmem:s19+$0x30];
	[tilespmem:s20+$0x1830 ss:$0x81] =	vst.msk $0xffff, v7  }
.Ltmp4:
0x4a: {  	_ = 	snop;
	(pc) =	sbr.rel .LBB1_4-.Ltmp4, $1  }
0x4b: {  	_ =	sdelay $0x3  }
.LBB1_6:
0x4c: {  	_ =	sfence.sel $0x180000  }
0x4d: {  	s2 =	simm.s32 $0x1;
	[bflag:$0x0] =	sbarrier.arrive $0xFFFF  }
0x4e: {  	s31 =	simm.s32 $0x2;
	[sflag:s2] =	ssyncpa.u1 $0x1  }
0x4f: {  	[sflag:s31] =	ssyncpa.u1 $0x1  }
0x50: {  	p0 =	sne.s32 s0, $0x0;
	_ =	strace $0x90000047  }
0x51: {  	s0 =	sadd.s32 @!p0 $0x100000, s1;
	[bflag:$0x2] =	sbarrier.arrive $0xFFFF  }
0x52: {  	[sflag:s0] =	ssyncadd.tile.s32 @!p0 $0x1;
	_ =	shalt  }
.Lfunc_end1:
_tile_overlayer_lowered:
.L_overlay_start_2:
0x53: {  	(tag) =	ssettag $0x2  }
0x54: {  	s0 =	rddreg [dreg:$0x0];
	s2 =	stileid.u32  }
0x55: {  	s1 =	rddreg [dreg:$0x1];
	p0 =	sne.s32 s2, $0x0  }
0x56: {  	s3 =	rddreg [dreg:$0x2];
	[bflag:$0x3] =	sbarrier.arrive $0xFFFF;
	s2 =	simm.s32 @!p0 $0x1C01  }
0x57: {  	[timem:s3], [sflag:s2] =	dma.local @!p0 [hbm:s0], s1  }
0x58: {  	s0 =	simm.s32 @!p0 $0x1  }
0x59: {  	_ =	swait.ge @!p0 [sflag:s0], s1  }
0x5a: {  	s1 =	ssub.s32 @!p0 $0x0, s1;
	[sflag:s0] =	ssyncset.done @!p0 $0x0  }
0x5b: {  	[sflag:s0] =	ssyncadd.s32 @!p0 s1  }
0x5c: {  	[bflag:$0x3] =	sbarrier.arrive $0xFFFF  }
0x5d: {  	_ =	shalt  }

</sc_bundles>
